<compile_context>
chip_gen: v7x
topology: tpu7x:2x2x1
jax: 0.10.2.dev20260603
libtpu: 0.0.44.dev20260713+nightly
codegen_flags: <defaults>
</compile_context>

<pallas_src>
import functools

import jax
import jax.numpy as jnp
from jax import lax
from jax.experimental import pallas as pl
from jax.experimental.pallas import tpu as pltpu
from jax.experimental.pallas import tpu_sc as plsc

_B, _K, _KNN = 16, 8192, 16
_L = 16
_NC, _NS = 2, 16
_NW = _NC * _NS
_IDX_PER_W = _B * _K * _KNN // _NW
_ROWS_PER_W = _IDX_PER_W // _KNN

_mesh = plsc.VectorSubcoreMesh(core_axis_name="c", subcore_axis_name="s")


@functools.partial(
    pl.kernel,
    out_type=jax.ShapeDtypeStruct((_NW, _L), jnp.float32),
    mesh=_mesh,
    scratch_types=[
        pltpu.VMEM((3, _K), jnp.float32),
        pltpu.VMEM((3, _K), jnp.float32),
        pltpu.VMEM((_K,), jnp.float32),
        pltpu.VMEM((_KNN // 2, _K), jnp.int32),
        pltpu.VMEM((_L,), jnp.float32),
        pltpu.SemaphoreType.DMA,
    ],
    compiler_params=pltpu.CompilerParams(
        needs_layout_passes=False, use_tc_tiling_on_sc=False),
)
def _sc_gather_sum(adv_hbm, ori_hbm, idx_hbm, out_hbm,
                   adv_v, ori_v, s_v, idx_v, acc_v, sem):
    wid = lax.axis_index("s") * _NC + lax.axis_index("c")
    b = wid // 2
    h = wid % 2

    idx_cp = pltpu.async_copy(
        idx_hbm.at[b, pl.ds(h * (_KNN // 2), _KNN // 2)], idx_v, sem)
    pltpu.sync_copy(adv_hbm.at[b], adv_v)
    pltpu.sync_copy(ori_hbm.at[b], ori_v)

    def sbody(j, carry):
        off = j * _L
        d0 = adv_v[0, pl.ds(off, _L)] - ori_v[0, pl.ds(off, _L)]
        d1 = adv_v[1, pl.ds(off, _L)] - ori_v[1, pl.ds(off, _L)]
        d2 = adv_v[2, pl.ds(off, _L)] - ori_v[2, pl.ds(off, _L)]
        s_v[pl.ds(off, _L)] = d0 * d0 + d1 * d1 + d2 * d2
        return carry

    lax.fori_loop(0, _K // _L, sbody, 0, unroll=4)

    idx_cp.wait()

    def gbody(j, acc):
        off = j * _L
        for n in range(_KNN // 2):
            iv = idx_v[n, pl.ds(off, _L)]
            acc = acc + plsc.load_gather(s_v, [iv])
        return acc

    acc = lax.fori_loop(0, _K // _L, gbody,
                        jnp.zeros((_L,), jnp.float32), unroll=2)
    acc_v[...] = acc
    pltpu.sync_copy(acc_v, out_hbm.at[wid])


def _tc_reduce_body(p_ref, w_ref, o_ref):
    o_ref[...] = jnp.sum(p_ref[...] * w_ref[...], keepdims=True)


_tc_reduce = pl.pallas_call(
    _tc_reduce_body,
    out_shape=jax.ShapeDtypeStruct((1, 1), jnp.float32),
)


def kernel(adv_pc, ori_pc, nearest_indices, weights):
    idx_t = jnp.swapaxes(nearest_indices, 1, 2)
    partials = _sc_gather_sum(adv_pc, ori_pc, idx_t)
    wrow = jnp.repeat(weights * (1.0 / _B), 2)[:, None]
    out = _tc_reduce(partials, wrow)
    return out[0, 0]

# --- scband reference (transcript-rebuilt; emitter-appended) ---
"""Pipeline reference for scband-laplacian-dist-24790551233436 (READ-ONLY COPY).

The authoritative reference and input builder live on the scoring server;
editing this copy changes nothing except your own understanding.
"""

import jax, jax.numpy as jnp
import numpy as np

B, K, KNN = 16, 8192, 16

def setup_inputs(seed: int = 0) -> dict:
    key = jax.random.key(seed)
    k1, k2, k3, k4 = jax.random.split(key, 4)
    adv_pc = jax.random.normal(k1, (B, 3, K), dtype=jnp.float32)
    ori_pc = jax.random.normal(k2, (B, 3, K), dtype=jnp.float32)
    nearest_indices = jax.random.randint(k3, (B, K, KNN), 0, K)
    weights = jax.random.uniform(k4, (B,), dtype=jnp.float32)
    return {"adv_pc": adv_pc, "ori_pc": ori_pc, "nearest_indices": nearest_indices, "weights": weights}

def reference(adv_pc, ori_pc, nearest_indices, weights):
    Bq, _, Kq = adv_pc.shape
    knn = nearest_indices.shape[2]
    # delta: [B, 3, K]
    delta = adv_pc - ori_pc
    # expand to [B, 3, K, knn] like torch unsqueeze(3).expand
    delta_exp = jnp.broadcast_to(delta[:, :, :, None], (Bq, 3, Kq, knn))
    # index expanded to [B, 3, K, knn] like torch unsqueeze(1).expand
    idx = jnp.broadcast_to(nearest_indices[:, None, :, :], (Bq, 3, Kq, knn))
    # torch.gather(delta, 2, idx) == take_along_axis on axis 2
    neighboring_points = jnp.take_along_axis(delta_exp, idx, axis=2)
    # torch.norm(..., dim=1) ** 2
    norm_squared = jnp.linalg.norm(neighboring_points, axis=1) ** 2
    dist = jnp.sum(norm_squared, axis=(1, 2))
    dist = dist * weights.astype(jnp.float32)
    # batch_avg=True
    return dist.mean()

if __name__ == "__main__":
    import jax
    _d = setup_inputs()
    print(jax.jit(kernel)(*tuple(_d.values())))

</pallas_src>

<mosaic_0001>
#map = affine_map<(d0, d1) -> (0, 0, 0)>
#map1 = affine_map<(d0, d1) -> (0, 0)>
module attributes {stable_mosaic.version = 14 : i64} {
  func.func @_sc_gather_sum(%arg0: i32, %arg1: i32, %arg2: memref<16x3x8192xf32, #tpu.memory_space<hbm>>, %arg3: memref<16x3x8192xf32, #tpu.memory_space<hbm>>, %arg4: memref<16x16x8192xi32, #tpu.memory_space<hbm>>, %arg5: memref<32x16xf32, #tpu.memory_space<hbm>>, %arg6: memref<3x8192xf32, #tpu.memory_space<vmem>>, %arg7: memref<3x8192xf32, #tpu.memory_space<vmem>>, %arg8: memref<8192xf32, #tpu.memory_space<vmem>>, %arg9: memref<8x8192xi32, #tpu.memory_space<vmem>>, %arg10: memref<16xf32, #tpu.memory_space<vmem>>, %arg11: memref<!tpu.dma_semaphore, #tpu.memory_space<semaphore_mem>>) attributes {dimension_semantics = [#tpu.dimension_semantics<core_parallel>, #tpu.dimension_semantics<subcore_parallel>], iteration_bounds = array<i64: 2, 16>, scalar_prefetch = 0 : i64, scratch_operands = 6 : i64, tpu.core_type = #tpu.core_type<sc_vector_subcore>, window_params = [{transform_indices = #map}, {transform_indices = #map}, {transform_indices = #map}, {transform_indices = #map1}]} {
    %mul3A = arith.constant 2 : i32
    %mul3A_0 = arith.muli %arg1, %mul3A : i32
    %add3A = arith.addi %mul3A_0, %arg0 : i32
    %jit3A = arith.constant 2 : i32
    %div3A = arith.divsi %add3A, %jit3A : i32
    %sign3A = arith.constant 0 : i32
    %sign3A_1 = arith.cmpi sgt, %add3A, %sign3A : i32
    %sign3A_2 = arith.extui %sign3A_1 : i1 to i32
    %sign3A_3 = arith.constant 0 : i32
    %sign3A_4 = arith.cmpi slt, %add3A, %sign3A_3 : i32
    %sign3A_5 = arith.extui %sign3A_4 : i1 to i32
    %sign3A_6 = arith.subi %sign3A_2, %sign3A_5 : i32
    %sign3A_7 = arith.constant 0 : i32
    %sign3A_8 = arith.cmpi sgt, %jit3A, %sign3A_7 : i32
    %sign3A_9 = arith.extui %sign3A_8 : i1 to i32
    %sign3A_10 = arith.constant 0 : i32
    %sign3A_11 = arith.cmpi slt, %jit3A, %sign3A_10 : i32
    %sign3A_12 = arith.extui %sign3A_11 : i1 to i32
    %sign3A_13 = arith.subi %sign3A_9, %sign3A_12 : i32
    %ne3A = arith.cmpi ne, %sign3A_6, %sign3A_13 : i32
    %rem3A = arith.remsi %add3A, %jit3A : i32
    %ne3A_14 = arith.constant 0 : i32
    %ne3A_15 = arith.cmpi ne, %rem3A, %ne3A_14 : i32
    %and3A = arith.andi %ne3A, %ne3A_15 : i1
    %sub3A = arith.constant 1 : i32
    %sub3A_16 = arith.subi %div3A, %sub3A : i32
    %select_n3A = arith.select %and3A, %sub3A_16, %div3A : i32
    %jit3A_17 = arith.constant 2 : i32
    %eq3A = arith.constant 0 : i32
    %eq3A_18 = arith.cmpi eq, %jit3A_17, %eq3A : i32
    %jit3A_19 = arith.constant 1 : i32
    %select_n3A_20 = arith.select %eq3A_18, %jit3A_19, %jit3A_17 : i32
    %rem3A_21 = arith.remsi %add3A, %select_n3A_20 : i32
    %ne3A_22 = arith.constant 0 : i32
    %ne3A_23 = arith.cmpi ne, %rem3A_21, %ne3A_22 : i32
    %lt3A = arith.constant 0 : i32
    %lt3A_24 = arith.cmpi slt, %rem3A_21, %lt3A : i32
    %lt3A_25 = arith.constant 0 : i32
    %lt3A_26 = arith.cmpi slt, %select_n3A_20, %lt3A_25 : i32
    %ne3A_27 = arith.xori %lt3A_24, %lt3A_26 : i1
    %and3A_28 = arith.andi %ne3A_27, %ne3A_23 : i1
    %add3A_29 = arith.addi %rem3A_21, %select_n3A_20 : i32
    %select_n3A_30 = arith.select %and3A_28, %add3A_29, %rem3A_21 : i32
    %mul3A_31 = arith.constant 8 : i32
    %mul3A_32 = arith.muli %select_n3A_30, %mul3A_31 : i32
    %dma_start3A = arith.constant 0 : i32
    %dma_start3A_33 = tpu.memref_slice %arg4[%select_n3A, %mul3A_32, %dma_start3A] : memref<16x16x8192xi32, #tpu.memory_space<hbm>> -> memref<1x8x8192xi32, #tpu.memory_space<hbm>>
    %dma_start3A_34 = tpu.memref_squeeze %dma_start3A_33 : memref<1x8x8192xi32, #tpu.memory_space<hbm>> -> memref<8x8192xi32, #tpu.memory_space<hbm>>
    %dma_start3A_35 = arith.constant 0 : i32
    %dma_start3A_36 = tpu.memref_slice %arg4[%select_n3A, %mul3A_32, %dma_start3A_35] : memref<16x16x8192xi32, #tpu.memory_space<hbm>> -> memref<1x8x8192xi32, #tpu.memory_space<hbm>>
    %dma_start3A_37 = tpu.memref_squeeze %dma_start3A_36 : memref<1x8x8192xi32, #tpu.memory_space<hbm>> -> memref<8x8192xi32, #tpu.memory_space<hbm>>
    tpu.enqueue_dma source(%dma_start3A_37 : memref<8x8192xi32, #tpu.memory_space<hbm>>) target(%arg9 : memref<8x8192xi32, #tpu.memory_space<vmem>>) target_semaphore(%arg11 : memref<!tpu.dma_semaphore, #tpu.memory_space<semaphore_mem>>)
    "tpu.region"() ({
      %run_scoped3A = tpu.sem_alloc : memref<!tpu.dma_semaphore, #tpu.memory_space<semaphore_mem>>
      %dma_start3A_56 = arith.constant 0 : i32
      %dma_start3A_57 = arith.constant 0 : i32
      %dma_start3A_58 = tpu.memref_slice %arg2[%select_n3A, %dma_start3A_56, %dma_start3A_57] : memref<16x3x8192xf32, #tpu.memory_space<hbm>> -> memref<1x3x8192xf32, #tpu.memory_space<hbm>>
      %dma_start3A_59 = tpu.memref_squeeze %dma_start3A_58 : memref<1x3x8192xf32, #tpu.memory_space<hbm>> -> memref<3x8192xf32, #tpu.memory_space<hbm>>
      %dma_start3A_60 = arith.constant 0 : i32
      %dma_start3A_61 = arith.constant 0 : i32
      %dma_start3A_62 = tpu.memref_slice %arg2[%select_n3A, %dma_start3A_60, %dma_start3A_61] : memref<16x3x8192xf32, #tpu.memory_space<hbm>> -> memref<1x3x8192xf32, #tpu.memory_space<hbm>>
      %dma_start3A_63 = tpu.memref_squeeze %dma_start3A_62 : memref<1x3x8192xf32, #tpu.memory_space<hbm>> -> memref<3x8192xf32, #tpu.memory_space<hbm>>
      tpu.enqueue_dma source(%dma_start3A_63 : memref<3x8192xf32, #tpu.memory_space<hbm>>) target(%arg6 : memref<3x8192xf32, #tpu.memory_space<vmem>>) target_semaphore(%run_scoped3A : memref<!tpu.dma_semaphore, #tpu.memory_space<semaphore_mem>>)
      %dma_wait3A_64 = arith.constant 0 : i32
      %dma_wait3A_65 = arith.constant 0 : i32
      %dma_wait3A_66 = tpu.memref_slice %arg2[%select_n3A, %dma_wait3A_64, %dma_wait3A_65] : memref<16x3x8192xf32, #tpu.memory_space<hbm>> -> memref<1x3x8192xf32, #tpu.memory_space<hbm>>
      %dma_wait3A_67 = tpu.memref_squeeze %dma_wait3A_66 : memref<1x3x8192xf32, #tpu.memory_space<hbm>> -> memref<3x8192xf32, #tpu.memory_space<hbm>>
      %dma_wait3A_68 = arith.constant 0 : i32
      %dma_wait3A_69 = arith.constant 0 : i32
      %dma_wait3A_70 = tpu.memref_slice %arg2[%select_n3A, %dma_wait3A_68, %dma_wait3A_69] : memref<16x3x8192xf32, #tpu.memory_space<hbm>> -> memref<1x3x8192xf32, #tpu.memory_space<hbm>>
      %dma_wait3A_71 = tpu.memref_squeeze %dma_wait3A_70 : memref<1x3x8192xf32, #tpu.memory_space<hbm>> -> memref<3x8192xf32, #tpu.memory_space<hbm>>
      tpu.wait_dma2 semaphore(%run_scoped3A : memref<!tpu.dma_semaphore, #tpu.memory_space<semaphore_mem>>) src(%dma_wait3A_71 : memref<3x8192xf32, #tpu.memory_space<hbm>>) dst(%arg6 : memref<3x8192xf32, #tpu.memory_space<vmem>>)
      tpu.yield
    }) : () -> ()
    "tpu.region"() ({
      %run_scoped3A = tpu.sem_alloc : memref<!tpu.dma_semaphore, #tpu.memory_space<semaphore_mem>>
      %dma_start3A_56 = arith.constant 0 : i32
      %dma_start3A_57 = arith.constant 0 : i32
      %dma_start3A_58 = tpu.memref_slice %arg3[%select_n3A, %dma_start3A_56, %dma_start3A_57] : memref<16x3x8192xf32, #tpu.memory_space<hbm>> -> memref<1x3x8192xf32, #tpu.memory_space<hbm>>
      %dma_start3A_59 = tpu.memref_squeeze %dma_start3A_58 : memref<1x3x8192xf32, #tpu.memory_space<hbm>> -> memref<3x8192xf32, #tpu.memory_space<hbm>>
      %dma_start3A_60 = arith.constant 0 : i32
      %dma_start3A_61 = arith.constant 0 : i32
      %dma_start3A_62 = tpu.memref_slice %arg3[%select_n3A, %dma_start3A_60, %dma_start3A_61] : memref<16x3x8192xf32, #tpu.memory_space<hbm>> -> memref<1x3x8192xf32, #tpu.memory_space<hbm>>
      %dma_start3A_63 = tpu.memref_squeeze %dma_start3A_62 : memref<1x3x8192xf32, #tpu.memory_space<hbm>> -> memref<3x8192xf32, #tpu.memory_space<hbm>>
      tpu.enqueue_dma source(%dma_start3A_63 : memref<3x8192xf32, #tpu.memory_space<hbm>>) target(%arg7 : memref<3x8192xf32, #tpu.memory_space<vmem>>) target_semaphore(%run_scoped3A : memref<!tpu.dma_semaphore, #tpu.memory_space<semaphore_mem>>)
      %dma_wait3A_64 = arith.constant 0 : i32
      %dma_wait3A_65 = arith.constant 0 : i32
      %dma_wait3A_66 = tpu.memref_slice %arg3[%select_n3A, %dma_wait3A_64, %dma_wait3A_65] : memref<16x3x8192xf32, #tpu.memory_space<hbm>> -> memref<1x3x8192xf32, #tpu.memory_space<hbm>>
      %dma_wait3A_67 = tpu.memref_squeeze %dma_wait3A_66 : memref<1x3x8192xf32, #tpu.memory_space<hbm>> -> memref<3x8192xf32, #tpu.memory_space<hbm>>
      %dma_wait3A_68 = arith.constant 0 : i32
      %dma_wait3A_69 = arith.constant 0 : i32
      %dma_wait3A_70 = tpu.memref_slice %arg3[%select_n3A, %dma_wait3A_68, %dma_wait3A_69] : memref<16x3x8192xf32, #tpu.memory_space<hbm>> -> memref<1x3x8192xf32, #tpu.memory_space<hbm>>
      %dma_wait3A_71 = tpu.memref_squeeze %dma_wait3A_70 : memref<1x3x8192xf32, #tpu.memory_space<hbm>> -> memref<3x8192xf32, #tpu.memory_space<hbm>>
      tpu.wait_dma2 semaphore(%run_scoped3A : memref<!tpu.dma_semaphore, #tpu.memory_space<semaphore_mem>>) src(%dma_wait3A_71 : memref<3x8192xf32, #tpu.memory_space<hbm>>) dst(%arg7 : memref<3x8192xf32, #tpu.memory_space<vmem>>)
      tpu.yield
    }) : () -> ()
    %scan3A = arith.constant 0 : i32
    %scan3A_38 = arith.constant 0 : i32
    %scan3A_39 = arith.constant 512 : i32
    %scan3A_40 = arith.addi %scan3A_38, %scan3A_39 : i32
    %scan3A_41 = arith.constant 4 : i32
    scf.for %scan3A_56 = %scan3A_38 to %scan3A_40 step %scan3A_41  : i32 {
      %mul3A_57 = arith.constant 16 : i32
      %mul3A_58 = arith.muli %scan3A_56, %mul3A_57 : i32
      %get3A = arith.constant 0 : i32
      %get3A_59 = arith.index_cast %get3A : i32 to index
      %get3A_60 = arith.index_cast %mul3A_58 : i32 to index
      %get3A_61 = tpu.vector_load %arg6[%get3A_59, %get3A_60] {strides = array<i32>} : memref<3x8192xf32, #tpu.memory_space<vmem>>, vector<16xf32>,
      %get3A_62 = arith.constant 0 : i32
      %get3A_63 = arith.index_cast %get3A_62 : i32 to index
      %get3A_64 = arith.index_cast %mul3A_58 : i32 to index
      %get3A_65 = tpu.vector_load %arg7[%get3A_63, %get3A_64] {strides = array<i32>} : memref<3x8192xf32, #tpu.memory_space<vmem>>, vector<16xf32>,
      %sub3A_66 = arith.subf %get3A_61, %get3A_65 : vector<16xf32>
      %get3A_67 = arith.constant 1 : i32
      %get3A_68 = arith.index_cast %get3A_67 : i32 to index
      %get3A_69 = arith.index_cast %mul3A_58 : i32 to index
      %get3A_70 = tpu.vector_load %arg6[%get3A_68, %get3A_69] {strides = array<i32>} : memref<3x8192xf32, #tpu.memory_space<vmem>>, vector<16xf32>,
      %get3A_71 = arith.constant 1 : i32
      %get3A_72 = arith.index_cast %get3A_71 : i32 to index
      %get3A_73 = arith.index_cast %mul3A_58 : i32 to index
      %get3A_74 = tpu.vector_load %arg7[%get3A_72, %get3A_73] {strides = array<i32>} : memref<3x8192xf32, #tpu.memory_space<vmem>>, vector<16xf32>,
      %sub3A_75 = arith.subf %get3A_70, %get3A_74 : vector<16xf32>
      %get3A_76 = arith.constant 2 : i32
      %get3A_77 = arith.index_cast %get3A_76 : i32 to index
      %get3A_78 = arith.index_cast %mul3A_58 : i32 to index
      %get3A_79 = tpu.vector_load %arg6[%get3A_77, %get3A_78] {strides = array<i32>} : memref<3x8192xf32, #tpu.memory_space<vmem>>, vector<16xf32>,
      %get3A_80 = arith.constant 2 : i32
      %get3A_81 = arith.index_cast %get3A_80 : i32 to index
      %get3A_82 = arith.index_cast %mul3A_58 : i32 to index
      %get3A_83 = tpu.vector_load %arg7[%get3A_81, %get3A_82] {strides = array<i32>} : memref<3x8192xf32, #tpu.memory_space<vmem>>, vector<16xf32>,
      %sub3A_84 = arith.subf %get3A_79, %get3A_83 : vector<16xf32>
      %mul3A_85 = arith.mulf %sub3A_66, %sub3A_66 : vector<16xf32>
      %mul3A_86 = arith.mulf %sub3A_75, %sub3A_75 : vector<16xf32>
      %add3A_87 = arith.addf %mul3A_85, %mul3A_86 : vector<16xf32>
      %mul3A_88 = arith.mulf %sub3A_84, %sub3A_84 : vector<16xf32>
      %add3A_89 = arith.addf %add3A_87, %mul3A_88 : vector<16xf32>
      %swap3A_90 = arith.index_cast %mul3A_58 : i32 to index
      %swap3A_91 = tpu.vector_load %arg8[%swap3A_90] {strides = array<i32>} : memref<8192xf32, #tpu.memory_space<vmem>>, vector<16xf32>,
      tpu.vector_store %arg8[%swap3A_90], %add3A_89 {strides = array<i32>} : memref<8192xf32, #tpu.memory_space<vmem>>, vector<16xf32>,
      %scan3A_92 = arith.constant 1 : i32
      %scan3A_93 = arith.addi %scan3A_56, %scan3A_92 : i32
      %mul3A_94 = arith.constant 16 : i32
      %mul3A_95 = arith.muli %scan3A_93, %mul3A_94 : i32
      %get3A_96 = arith.constant 0 : i32
      %get3A_97 = arith.index_cast %get3A_96 : i32 to index
      %get3A_98 = arith.index_cast %mul3A_95 : i32 to index
      %get3A_99 = tpu.vector_load %arg6[%get3A_97, %get3A_98] {strides = array<i32>} : memref<3x8192xf32, #tpu.memory_space<vmem>>, vector<16xf32>,
      %get3A_100 = arith.constant 0 : i32
      %get3A_101 = arith.index_cast %get3A_100 : i32 to index
      %get3A_102 = arith.index_cast %mul3A_95 : i32 to index
      %get3A_103 = tpu.vector_load %arg7[%get3A_101, %get3A_102] {strides = array<i32>} : memref<3x8192xf32, #tpu.memory_space<vmem>>, vector<16xf32>,
      %sub3A_104 = arith.subf %get3A_99, %get3A_103 : vector<16xf32>
      %get3A_105 = arith.constant 1 : i32
      %get3A_106 = arith.index_cast %get3A_105 : i32 to index
      %get3A_107 = arith.index_cast %mul3A_95 : i32 to index
      %get3A_108 = tpu.vector_load %arg6[%get3A_106, %get3A_107] {strides = array<i32>} : memref<3x8192xf32, #tpu.memory_space<vmem>>, vector<16xf32>,
      %get3A_109 = arith.constant 1 : i32
      %get3A_110 = arith.index_cast %get3A_109 : i32 to index
      %get3A_111 = arith.index_cast %mul3A_95 : i32 to index
      %get3A_112 = tpu.vector_load %arg7[%get3A_110, %get3A_111] {strides = array<i32>} : memref<3x8192xf32, #tpu.memory_space<vmem>>, vector<16xf32>,
      %sub3A_113 = arith.subf %get3A_108, %get3A_112 : vector<16xf32>
      %get3A_114 = arith.constant 2 : i32
      %get3A_115 = arith.index_cast %get3A_114 : i32 to index
      %get3A_116 = arith.index_cast %mul3A_95 : i32 to index
      %get3A_117 = tpu.vector_load %arg6[%get3A_115, %get3A_116] {strides = array<i32>} : memref<3x8192xf32, #tpu.memory_space<vmem>>, vector<16xf32>,
      %get3A_118 = arith.constant 2 : i32
      %get3A_119 = arith.index_cast %get3A_118 : i32 to index
      %get3A_120 = arith.index_cast %mul3A_95 : i32 to index
      %get3A_121 = tpu.vector_load %arg7[%get3A_119, %get3A_120] {strides = array<i32>} : memref<3x8192xf32, #tpu.memory_space<vmem>>, vector<16xf32>,
      %sub3A_122 = arith.subf %get3A_117, %get3A_121 : vector<16xf32>
      %mul3A_123 = arith.mulf %sub3A_104, %sub3A_104 : vector<16xf32>
      %mul3A_124 = arith.mulf %sub3A_113, %sub3A_113 : vector<16xf32>
      %add3A_125 = arith.addf %mul3A_123, %mul3A_124 : vector<16xf32>
      %mul3A_126 = arith.mulf %sub3A_122, %sub3A_122 : vector<16xf32>
      %add3A_127 = arith.addf %add3A_125, %mul3A_126 : vector<16xf32>
      %swap3A_128 = arith.index_cast %mul3A_95 : i32 to index
      %swap3A_129 = tpu.vector_load %arg8[%swap3A_128] {strides = array<i32>} : memref<8192xf32, #tpu.memory_space<vmem>>, vector<16xf32>,
      tpu.vector_store %arg8[%swap3A_128], %add3A_127 {strides = array<i32>} : memref<8192xf32, #tpu.memory_space<vmem>>, vector<16xf32>,
      %scan3A_130 = arith.constant 2 : i32
      %scan3A_131 = arith.addi %scan3A_56, %scan3A_130 : i32
      %mul3A_132 = arith.constant 16 : i32
      %mul3A_133 = arith.muli %scan3A_131, %mul3A_132 : i32
      %get3A_134 = arith.constant 0 : i32
      %get3A_135 = arith.index_cast %get3A_134 : i32 to index
      %get3A_136 = arith.index_cast %mul3A_133 : i32 to index
      %get3A_137 = tpu.vector_load %arg6[%get3A_135, %get3A_136] {strides = array<i32>} : memref<3x8192xf32, #tpu.memory_space<vmem>>, vector<16xf32>,
      %get3A_138 = arith.constant 0 : i32
      %get3A_139 = arith.index_cast %get3A_138 : i32 to index
      %get3A_140 = arith.index_cast %mul3A_133 : i32 to index
      %get3A_141 = tpu.vector_load %arg7[%get3A_139, %get3A_140] {strides = array<i32>} : memref<3x8192xf32, #tpu.memory_space<vmem>>, vector<16xf32>,
      %sub3A_142 = arith.subf %get3A_137, %get3A_141 : vector<16xf32>
      %get3A_143 = arith.constant 1 : i32
      %get3A_144 = arith.index_cast %get3A_143 : i32 to index
      %get3A_145 = arith.index_cast %mul3A_133 : i32 to index
      %get3A_146 = tpu.vector_load %arg6[%get3A_144, %get3A_145] {strides = array<i32>} : memref<3x8192xf32, #tpu.memory_space<vmem>>, vector<16xf32>,
      %get3A_147 = arith.constant 1 : i32
      %get3A_148 = arith.index_cast %get3A_147 : i32 to index
      %get3A_149 = arith.index_cast %mul3A_133 : i32 to index
      %get3A_150 = tpu.vector_load %arg7[%get3A_148, %get3A_149] {strides = array<i32>} : memref<3x8192xf32, #tpu.memory_space<vmem>>, vector<16xf32>,
      %sub3A_151 = arith.subf %get3A_146, %get3A_150 : vector<16xf32>
      %get3A_152 = arith.constant 2 : i32
      %get3A_153 = arith.index_cast %get3A_152 : i32 to index
      %get3A_154 = arith.index_cast %mul3A_133 : i32 to index
      %get3A_155 = tpu.vector_load %arg6[%get3A_153, %get3A_154] {strides = array<i32>} : memref<3x8192xf32, #tpu.memory_space<vmem>>, vector<16xf32>,
      %get3A_156 = arith.constant 2 : i32
      %get3A_157 = arith.index_cast %get3A_156 : i32 to index
      %get3A_158 = arith.index_cast %mul3A_133 : i32 to index
      %get3A_159 = tpu.vector_load %arg7[%get3A_157, %get3A_158] {strides = array<i32>} : memref<3x8192xf32, #tpu.memory_space<vmem>>, vector<16xf32>,
      %sub3A_160 = arith.subf %get3A_155, %get3A_159 : vector<16xf32>
      %mul3A_161 = arith.mulf %sub3A_142, %sub3A_142 : vector<16xf32>
      %mul3A_162 = arith.mulf %sub3A_151, %sub3A_151 : vector<16xf32>
      %add3A_163 = arith.addf %mul3A_161, %mul3A_162 : vector<16xf32>
      %mul3A_164 = arith.mulf %sub3A_160, %sub3A_160 : vector<16xf32>
      %add3A_165 = arith.addf %add3A_163, %mul3A_164 : vector<16xf32>
      %swap3A_166 = arith.index_cast %mul3A_133 : i32 to index
      %swap3A_167 = tpu.vector_load %arg8[%swap3A_166] {strides = array<i32>} : memref<8192xf32, #tpu.memory_space<vmem>>, vector<16xf32>,
      tpu.vector_store %arg8[%swap3A_166], %add3A_165 {strides = array<i32>} : memref<8192xf32, #tpu.memory_space<vmem>>, vector<16xf32>,
      %scan3A_168 = arith.constant 3 : i32
      %scan3A_169 = arith.addi %scan3A_56, %scan3A_168 : i32
      %mul3A_170 = arith.constant 16 : i32
      %mul3A_171 = arith.muli %scan3A_169, %mul3A_170 : i32
      %get3A_172 = arith.constant 0 : i32
      %get3A_173 = arith.index_cast %get3A_172 : i32 to index
      %get3A_174 = arith.index_cast %mul3A_171 : i32 to index
      %get3A_175 = tpu.vector_load %arg6[%get3A_173, %get3A_174] {strides = array<i32>} : memref<3x8192xf32, #tpu.memory_space<vmem>>, vector<16xf32>,
      %get3A_176 = arith.constant 0 : i32
      %get3A_177 = arith.index_cast %get3A_176 : i32 to index
      %get3A_178 = arith.index_cast %mul3A_171 : i32 to index
      %get3A_179 = tpu.vector_load %arg7[%get3A_177, %get3A_178] {strides = array<i32>} : memref<3x8192xf32, #tpu.memory_space<vmem>>, vector<16xf32>,
      %sub3A_180 = arith.subf %get3A_175, %get3A_179 : vector<16xf32>
      %get3A_181 = arith.constant 1 : i32
      %get3A_182 = arith.index_cast %get3A_181 : i32 to index
      %get3A_183 = arith.index_cast %mul3A_171 : i32 to index
      %get3A_184 = tpu.vector_load %arg6[%get3A_182, %get3A_183] {strides = array<i32>} : memref<3x8192xf32, #tpu.memory_space<vmem>>, vector<16xf32>,
      %get3A_185 = arith.constant 1 : i32
      %get3A_186 = arith.index_cast %get3A_185 : i32 to index
      %get3A_187 = arith.index_cast %mul3A_171 : i32 to index
      %get3A_188 = tpu.vector_load %arg7[%get3A_186, %get3A_187] {strides = array<i32>} : memref<3x8192xf32, #tpu.memory_space<vmem>>, vector<16xf32>,
      %sub3A_189 = arith.subf %get3A_184, %get3A_188 : vector<16xf32>
      %get3A_190 = arith.constant 2 : i32
      %get3A_191 = arith.index_cast %get3A_190 : i32 to index
      %get3A_192 = arith.index_cast %mul3A_171 : i32 to index
      %get3A_193 = tpu.vector_load %arg6[%get3A_191, %get3A_192] {strides = array<i32>} : memref<3x8192xf32, #tpu.memory_space<vmem>>, vector<16xf32>,
      %get3A_194 = arith.constant 2 : i32
      %get3A_195 = arith.index_cast %get3A_194 : i32 to index
      %get3A_196 = arith.index_cast %mul3A_171 : i32 to index
      %get3A_197 = tpu.vector_load %arg7[%get3A_195, %get3A_196] {strides = array<i32>} : memref<3x8192xf32, #tpu.memory_space<vmem>>, vector<16xf32>,
      %sub3A_198 = arith.subf %get3A_193, %get3A_197 : vector<16xf32>
      %mul3A_199 = arith.mulf %sub3A_180, %sub3A_180 : vector<16xf32>
      %mul3A_200 = arith.mulf %sub3A_189, %sub3A_189 : vector<16xf32>
      %add3A_201 = arith.addf %mul3A_199, %mul3A_200 : vector<16xf32>
      %mul3A_202 = arith.mulf %sub3A_198, %sub3A_198 : vector<16xf32>
      %add3A_203 = arith.addf %add3A_201, %mul3A_202 : vector<16xf32>
      %swap3A_204 = arith.index_cast %mul3A_171 : i32 to index
      %swap3A_205 = tpu.vector_load %arg8[%swap3A_204] {strides = array<i32>} : memref<8192xf32, #tpu.memory_space<vmem>>, vector<16xf32>,
      tpu.vector_store %arg8[%swap3A_204], %add3A_203 {strides = array<i32>} : memref<8192xf32, #tpu.memory_space<vmem>>, vector<16xf32>,
    }
    %scan3A_42 = arith.constant 512 : i32
    %dma_wait3A = arith.constant 0 : i32
    %dma_wait3A_43 = tpu.memref_slice %arg4[%select_n3A, %mul3A_32, %dma_wait3A] : memref<16x16x8192xi32, #tpu.memory_space<hbm>> -> memref<1x8x8192xi32, #tpu.memory_space<hbm>>
    %dma_wait3A_44 = tpu.memref_squeeze %dma_wait3A_43 : memref<1x8x8192xi32, #tpu.memory_space<hbm>> -> memref<8x8192xi32, #tpu.memory_space<hbm>>
    %dma_wait3A_45 = arith.constant 0 : i32
    %dma_wait3A_46 = tpu.memref_slice %arg4[%select_n3A, %mul3A_32, %dma_wait3A_45] : memref<16x16x8192xi32, #tpu.memory_space<hbm>> -> memref<1x8x8192xi32, #tpu.memory_space<hbm>>
    %dma_wait3A_47 = tpu.memref_squeeze %dma_wait3A_46 : memref<1x8x8192xi32, #tpu.memory_space<hbm>> -> memref<8x8192xi32, #tpu.memory_space<hbm>>
    tpu.wait_dma2 semaphore(%arg11 : memref<!tpu.dma_semaphore, #tpu.memory_space<semaphore_mem>>) src(%dma_wait3A_47 : memref<8x8192xi32, #tpu.memory_space<hbm>>) dst(%arg9 : memref<8x8192xi32, #tpu.memory_space<vmem>>)
    %broadcast_in_dim3A = arith.constant 0.000000e+00 : f32
    %broadcast_in_dim3A_48 = vector.broadcast %broadcast_in_dim3A : f32 to vector<16xf32>
    %scan3A_49 = arith.constant 0 : i32
    %scan3A_50 = arith.constant 512 : i32
    %scan3A_51 = arith.addi %scan3A_49, %scan3A_50 : i32
    %scan3A_52 = arith.constant 2 : i32
    %scan3A_53 = scf.for %scan3A_56 = %scan3A_49 to %scan3A_51 step %scan3A_52 iter_args(%scan3A_57 = %broadcast_in_dim3A_48) -> (vector<16xf32>)  : i32 {
      %mul3A_58 = arith.constant 16 : i32
      %mul3A_59 = arith.muli %scan3A_56, %mul3A_58 : i32
      %get3A = arith.constant 0 : i32
      %get3A_60 = arith.index_cast %get3A : i32 to index
      %get3A_61 = arith.index_cast %mul3A_59 : i32 to index
      %get3A_62 = tpu.vector_load %arg9[%get3A_60, %get3A_61] {strides = array<i32>} : memref<8x8192xi32, #tpu.memory_space<vmem>>, vector<16xi32>,
      %gather3A = tpu.vector_load_idx %arg8[%get3A_62] : memref<8192xf32, #tpu.memory_space<vmem>>[vector<16xi32>], vector<16xf32>,
      %add3A_63 = arith.addf %scan3A_57, %gather3A : vector<16xf32>
      %get3A_64 = arith.constant 1 : i32
      %get3A_65 = arith.index_cast %get3A_64 : i32 to index
      %get3A_66 = arith.index_cast %mul3A_59 : i32 to index
      %get3A_67 = tpu.vector_load %arg9[%get3A_65, %get3A_66] {strides = array<i32>} : memref<8x8192xi32, #tpu.memory_space<vmem>>, vector<16xi32>,
      %gather3A_68 = tpu.vector_load_idx %arg8[%get3A_67] : memref<8192xf32, #tpu.memory_space<vmem>>[vector<16xi32>], vector<16xf32>,
      %add3A_69 = arith.addf %add3A_63, %gather3A_68 : vector<16xf32>
      %get3A_70 = arith.constant 2 : i32
      %get3A_71 = arith.index_cast %get3A_70 : i32 to index
      %get3A_72 = arith.index_cast %mul3A_59 : i32 to index
      %get3A_73 = tpu.vector_load %arg9[%get3A_71, %get3A_72] {strides = array<i32>} : memref<8x8192xi32, #tpu.memory_space<vmem>>, vector<16xi32>,
      %gather3A_74 = tpu.vector_load_idx %arg8[%get3A_73] : memref<8192xf32, #tpu.memory_space<vmem>>[vector<16xi32>], vector<16xf32>,
      %add3A_75 = arith.addf %add3A_69, %gather3A_74 : vector<16xf32>
      %get3A_76 = arith.constant 3 : i32
      %get3A_77 = arith.index_cast %get3A_76 : i32 to index
      %get3A_78 = arith.index_cast %mul3A_59 : i32 to index
      %get3A_79 = tpu.vector_load %arg9[%get3A_77, %get3A_78] {strides = array<i32>} : memref<8x8192xi32, #tpu.memory_space<vmem>>, vector<16xi32>,
      %gather3A_80 = tpu.vector_load_idx %arg8[%get3A_79] : memref<8192xf32, #tpu.memory_space<vmem>>[vector<16xi32>], vector<16xf32>,
      %add3A_81 = arith.addf %add3A_75, %gather3A_80 : vector<16xf32>
      %get3A_82 = arith.constant 4 : i32
      %get3A_83 = arith.index_cast %get3A_82 : i32 to index
      %get3A_84 = arith.index_cast %mul3A_59 : i32 to index
      %get3A_85 = tpu.vector_load %arg9[%get3A_83, %get3A_84] {strides = array<i32>} : memref<8x8192xi32, #tpu.memory_space<vmem>>, vector<16xi32>,
      %gather3A_86 = tpu.vector_load_idx %arg8[%get3A_85] : memref<8192xf32, #tpu.memory_space<vmem>>[vector<16xi32>], vector<16xf32>,
      %add3A_87 = arith.addf %add3A_81, %gather3A_86 : vector<16xf32>
      %get3A_88 = arith.constant 5 : i32
      %get3A_89 = arith.index_cast %get3A_88 : i32 to index
      %get3A_90 = arith.index_cast %mul3A_59 : i32 to index
      %get3A_91 = tpu.vector_load %arg9[%get3A_89, %get3A_90] {strides = array<i32>} : memref<8x8192xi32, #tpu.memory_space<vmem>>, vector<16xi32>,
      %gather3A_92 = tpu.vector_load_idx %arg8[%get3A_91] : memref<8192xf32, #tpu.memory_space<vmem>>[vector<16xi32>], vector<16xf32>,
      %add3A_93 = arith.addf %add3A_87, %gather3A_92 : vector<16xf32>
      %get3A_94 = arith.constant 6 : i32
      %get3A_95 = arith.index_cast %get3A_94 : i32 to index
      %get3A_96 = arith.index_cast %mul3A_59 : i32 to index
      %get3A_97 = tpu.vector_load %arg9[%get3A_95, %get3A_96] {strides = array<i32>} : memref<8x8192xi32, #tpu.memory_space<vmem>>, vector<16xi32>,
      %gather3A_98 = tpu.vector_load_idx %arg8[%get3A_97] : memref<8192xf32, #tpu.memory_space<vmem>>[vector<16xi32>], vector<16xf32>,
      %add3A_99 = arith.addf %add3A_93, %gather3A_98 : vector<16xf32>
      %get3A_100 = arith.constant 7 : i32
      %get3A_101 = arith.index_cast %get3A_100 : i32 to index
      %get3A_102 = arith.index_cast %mul3A_59 : i32 to index
      %get3A_103 = tpu.vector_load %arg9[%get3A_101, %get3A_102] {strides = array<i32>} : memref<8x8192xi32, #tpu.memory_space<vmem>>, vector<16xi32>,
      %gather3A_104 = tpu.vector_load_idx %arg8[%get3A_103] : memref<8192xf32, #tpu.memory_space<vmem>>[vector<16xi32>], vector<16xf32>,
      %add3A_105 = arith.addf %add3A_99, %gather3A_104 : vector<16xf32>
      %scan3A_106 = arith.constant 1 : i32
      %scan3A_107 = arith.addi %scan3A_56, %scan3A_106 : i32
      %mul3A_108 = arith.constant 16 : i32
      %mul3A_109 = arith.muli %scan3A_107, %mul3A_108 : i32
      %get3A_110 = arith.constant 0 : i32
      %get3A_111 = arith.index_cast %get3A_110 : i32 to index
      %get3A_112 = arith.index_cast %mul3A_109 : i32 to index
      %get3A_113 = tpu.vector_load %arg9[%get3A_111, %get3A_112] {strides = array<i32>} : memref<8x8192xi32, #tpu.memory_space<vmem>>, vector<16xi32>,
      %gather3A_114 = tpu.vector_load_idx %arg8[%get3A_113] : memref<8192xf32, #tpu.memory_space<vmem>>[vector<16xi32>], vector<16xf32>,
      %add3A_115 = arith.addf %add3A_105, %gather3A_114 : vector<16xf32>
      %get3A_116 = arith.constant 1 : i32
      %get3A_117 = arith.index_cast %get3A_116 : i32 to index
      %get3A_118 = arith.index_cast %mul3A_109 : i32 to index
      %get3A_119 = tpu.vector_load %arg9[%get3A_117, %get3A_118] {strides = array<i32>} : memref<8x8192xi32, #tpu.memory_space<vmem>>, vector<16xi32>,
      %gather3A_120 = tpu.vector_load_idx %arg8[%get3A_119] : memref<8192xf32, #tpu.memory_space<vmem>>[vector<16xi32>], vector<16xf32>,
      %add3A_121 = arith.addf %add3A_115, %gather3A_120 : vector<16xf32>
      %get3A_122 = arith.constant 2 : i32
      %get3A_123 = arith.index_cast %get3A_122 : i32 to index
      %get3A_124 = arith.index_cast %mul3A_109 : i32 to index
      %get3A_125 = tpu.vector_load %arg9[%get3A_123, %get3A_124] {strides = array<i32>} : memref<8x8192xi32, #tpu.memory_space<vmem>>, vector<16xi32>,
      %gather3A_126 = tpu.vector_load_idx %arg8[%get3A_125] : memref<8192xf32, #tpu.memory_space<vmem>>[vector<16xi32>], vector<16xf32>,
      %add3A_127 = arith.addf %add3A_121, %gather3A_126 : vector<16xf32>
      %get3A_128 = arith.constant 3 : i32
      %get3A_129 = arith.index_cast %get3A_128 : i32 to index
      %get3A_130 = arith.index_cast %mul3A_109 : i32 to index
      %get3A_131 = tpu.vector_load %arg9[%get3A_129, %get3A_130] {strides = array<i32>} : memref<8x8192xi32, #tpu.memory_space<vmem>>, vector<16xi32>,
      %gather3A_132 = tpu.vector_load_idx %arg8[%get3A_131] : memref<8192xf32, #tpu.memory_space<vmem>>[vector<16xi32>], vector<16xf32>,
      %add3A_133 = arith.addf %add3A_127, %gather3A_132 : vector<16xf32>
      %get3A_134 = arith.constant 4 : i32
      %get3A_135 = arith.index_cast %get3A_134 : i32 to index
      %get3A_136 = arith.index_cast %mul3A_109 : i32 to index
      %get3A_137 = tpu.vector_load %arg9[%get3A_135, %get3A_136] {strides = array<i32>} : memref<8x8192xi32, #tpu.memory_space<vmem>>, vector<16xi32>,
      %gather3A_138 = tpu.vector_load_idx %arg8[%get3A_137] : memref<8192xf32, #tpu.memory_space<vmem>>[vector<16xi32>], vector<16xf32>,
      %add3A_139 = arith.addf %add3A_133, %gather3A_138 : vector<16xf32>
      %get3A_140 = arith.constant 5 : i32
      %get3A_141 = arith.index_cast %get3A_140 : i32 to index
      %get3A_142 = arith.index_cast %mul3A_109 : i32 to index
      %get3A_143 = tpu.vector_load %arg9[%get3A_141, %get3A_142] {strides = array<i32>} : memref<8x8192xi32, #tpu.memory_space<vmem>>, vector<16xi32>,
      %gather3A_144 = tpu.vector_load_idx %arg8[%get3A_143] : memref<8192xf32, #tpu.memory_space<vmem>>[vector<16xi32>], vector<16xf32>,
      %add3A_145 = arith.addf %add3A_139, %gather3A_144 : vector<16xf32>
      %get3A_146 = arith.constant 6 : i32
      %get3A_147 = arith.index_cast %get3A_146 : i32 to index
      %get3A_148 = arith.index_cast %mul3A_109 : i32 to index
      %get3A_149 = tpu.vector_load %arg9[%get3A_147, %get3A_148] {strides = array<i32>} : memref<8x8192xi32, #tpu.memory_space<vmem>>, vector<16xi32>,
      %gather3A_150 = tpu.vector_load_idx %arg8[%get3A_149] : memref<8192xf32, #tpu.memory_space<vmem>>[vector<16xi32>], vector<16xf32>,
      %add3A_151 = arith.addf %add3A_145, %gather3A_150 : vector<16xf32>
      %get3A_152 = arith.constant 7 : i32
      %get3A_153 = arith.index_cast %get3A_152 : i32 to index
      %get3A_154 = arith.index_cast %mul3A_109 : i32 to index
      %get3A_155 = tpu.vector_load %arg9[%get3A_153, %get3A_154] {strides = array<i32>} : memref<8x8192xi32, #tpu.memory_space<vmem>>, vector<16xi32>,
      %gather3A_156 = tpu.vector_load_idx %arg8[%get3A_155] : memref<8192xf32, #tpu.memory_space<vmem>>[vector<16xi32>], vector<16xf32>,
      %add3A_157 = arith.addf %add3A_151, %gather3A_156 : vector<16xf32>
      scf.yield %add3A_157 : vector<16xf32>
    }
    %scan3A_54 = arith.constant 512 : i32
    %swap3A = arith.constant 0 : index
    %swap3A_55 = tpu.vector_load %arg10[%swap3A] {strides = array<i32>} : memref<16xf32, #tpu.memory_space<vmem>>, vector<16xf32>,
    tpu.vector_store %arg10[%swap3A], %scan3A_53 {strides = array<i32>} : memref<16xf32, #tpu.memory_space<vmem>>, vector<16xf32>,
    "tpu.region"() ({
      %run_scoped3A = tpu.sem_alloc : memref<!tpu.dma_semaphore, #tpu.memory_space<semaphore_mem>>
      %dma_start3A_56 = arith.constant 0 : i32
      %dma_start3A_57 = tpu.memref_slice %arg5[%add3A, %dma_start3A_56] : memref<32x16xf32, #tpu.memory_space<hbm>> -> memref<1x16xf32, #tpu.memory_space<hbm>>
      %dma_start3A_58 = tpu.memref_squeeze %dma_start3A_57 : memref<1x16xf32, #tpu.memory_space<hbm>> -> memref<16xf32, #tpu.memory_space<hbm>>
      %dma_start3A_59 = arith.constant 0 : i32
      %dma_start3A_60 = tpu.memref_slice %arg5[%add3A, %dma_start3A_59] : memref<32x16xf32, #tpu.memory_space<hbm>> -> memref<1x16xf32, #tpu.memory_space<hbm>>
      %dma_start3A_61 = tpu.memref_squeeze %dma_start3A_60 : memref<1x16xf32, #tpu.memory_space<hbm>> -> memref<16xf32, #tpu.memory_space<hbm>>
      tpu.enqueue_dma source(%arg10 : memref<16xf32, #tpu.memory_space<vmem>>) target(%dma_start3A_61 : memref<16xf32, #tpu.memory_space<hbm>>) target_semaphore(%run_scoped3A : memref<!tpu.dma_semaphore, #tpu.memory_space<semaphore_mem>>)
      %dma_wait3A_62 = arith.constant 0 : i32
      %dma_wait3A_63 = tpu.memref_slice %arg5[%add3A, %dma_wait3A_62] : memref<32x16xf32, #tpu.memory_space<hbm>> -> memref<1x16xf32, #tpu.memory_space<hbm>>
      %dma_wait3A_64 = tpu.memref_squeeze %dma_wait3A_63 : memref<1x16xf32, #tpu.memory_space<hbm>> -> memref<16xf32, #tpu.memory_space<hbm>>
      %dma_wait3A_65 = arith.constant 0 : i32
      %dma_wait3A_66 = tpu.memref_slice %arg5[%add3A, %dma_wait3A_65] : memref<32x16xf32, #tpu.memory_space<hbm>> -> memref<1x16xf32, #tpu.memory_space<hbm>>
      %dma_wait3A_67 = tpu.memref_squeeze %dma_wait3A_66 : memref<1x16xf32, #tpu.memory_space<hbm>> -> memref<16xf32, #tpu.memory_space<hbm>>
      tpu.wait_dma2 semaphore(%run_scoped3A : memref<!tpu.dma_semaphore, #tpu.memory_space<semaphore_mem>>) src(%arg10 : memref<16xf32, #tpu.memory_space<vmem>>) dst(%dma_wait3A_67 : memref<16xf32, #tpu.memory_space<hbm>>)
      tpu.yield
    }) : () -> ()
    return
  }
}

module attributes {stable_mosaic.version = 14 : i64} {
  func.func @_tc_reduce_body(%arg0: memref<32x16xf32, #tpu.memory_space<vmem>>, %arg1: memref<32x1xf32, #tpu.memory_space<vmem>>, %arg2: memref<1x1xf32, #tpu.memory_space<vmem>>) attributes {dimension_semantics = [], scalar_prefetch = 0 : i64, scratch_operands = 0 : i64, tpu.core_type = #tpu.core_type<tc>} {
    %get3A = arith.constant 0 : index
    %get3A_0 = arith.constant 0 : index
    %get3A_1 = vector.load %arg0[%get3A, %get3A_0] : memref<32x16xf32, #tpu.memory_space<vmem>>, vector<32x16xf32>
    %get3A_2 = arith.constant 0 : index
    %get3A_3 = arith.constant 0 : index
    %get3A_4 = vector.load %arg1[%get3A_2, %get3A_3] : memref<32x1xf32, #tpu.memory_space<vmem>>, vector<32x1xf32>
    %mul3A = vector.broadcast %get3A_4 : vector<32x1xf32> to vector<32x16xf32>
    %mul3A_5 = arith.mulf %get3A_1, %mul3A : vector<32x16xf32>
    %reduce_sum3A = vector.shape_cast %mul3A_5 : vector<32x16xf32> to vector<1x32x16xf32>
    %reduce_sum3A_6 = arith.constant dense<0.000000e+00> : vector<1xf32>
    %reduce_sum3A_7 = vector.multi_reduction <add>, %reduce_sum3A, %reduce_sum3A_6 [1, 2] : vector<1x32x16xf32> to vector<1xf32>
    %reduce_sum3A_8 = vector.shape_cast %reduce_sum3A_7 : vector<1xf32> to vector<1x1x1xf32>
    %reduce_sum3A_9 = vector.extract %reduce_sum3A_8[0, 0, 0] : f32 from vector<1x1x1xf32>
    %broadcast_in_dim3A = vector.broadcast %reduce_sum3A_9 : f32 to vector<1x1xf32>
    %swap3A = arith.constant 0 : index
    %swap3A_10 = arith.constant 0 : index
    %swap3A_11 = vector.load %arg2[%swap3A, %swap3A_10] : memref<1x1xf32, #tpu.memory_space<vmem>>, vector<1x1xf32>
    tpu.vector_store %arg2[%swap3A, %swap3A_10], %broadcast_in_dim3A {strides = array<i32>} : memref<1x1xf32, #tpu.memory_space<vmem>>, vector<1x1xf32>,
    return
  }
}

</mosaic_0001>

<sc_bundles>
// kernel: kernel.4.cloned.1.call-start
scs
__scs_entry_jumppad:
0x0: {  	(pc) =	sbr.rel $0x88, $3  }
0x1: {  	(tag) =	ssettag $0x0;
	lr =	simm.s32 $0x1  }
0x2: {  	[smem:$0x3F9D] =	sst lr;
	_ =	strace $0xD0000000  }
0x3: {  	_ = 	snop  }
0x4: {  	_ = 	snop  }
0x5: {  	_ = 	snop  }
0x6: {  	_ = 	snop  }
0x7: {  	_ = 	snop  }
__scs_overlays_trampoline_lowered:
0x8: {  	[smem:$0x3FAC] =	sst s0  }
0x9: {  	[smem:$0x3FAD] =	sst s1  }
0xa: {  	[smem:$0x3FAE] =	sst s2  }
0xb: {  	[smem:$0x3FAF] =	sst s3  }
0xc: {  	[smem:$0x3FB0] =	sst s4  }
0xd: {  	[smem:$0x3FB1] =	sst s5  }
0xe: {  	[smem:$0x3FB2] =	sst s6  }
0xf: {  	[smem:$0x3FB3] =	sst s7  }
0x10: {  	[smem:$0x3FB4] =	sst s8  }
0x11: {  	[smem:$0x3FB5] =	sst s9;
	s0 =	simm.s32 @!p0 $0x0  }
0x12: {  	s1 =	sld [smem:$0x3F9B];
	s0 =	simm.s32 @p0 $0x1  }
0x13: {  	[smem:$0x3FB6] =	sst s0;
	s0 =	simm.s32 @!p1 $0x0  }
0x14: {  	s2 =	sld [smem:$0x3F9A];
	s0 =	simm.s32 @p1 $0x1  }
0x15: {  	[smem:$0x3FB7] =	sst s0;
	s0 =	simm.s32 @!p2 $0x0  }
0x16: {  	s3 =	sld [smem:$0x3FDB];
	s0 =	simm.s32 @p2 $0x1  }
0x17: {  	s4 =	simm.s32 $0x1BF5;
	[smem:$0x3FB9] =	sst s0  }
0x18: {  	s0 =	sld [smem:$0x3F9C];
	_ =	swait.ge [sflag:s4], $0x0  }
0x19: {  	s7 =	sld [smem:$0x3F9D]  }
0x1a: {  	s8 =	sadd.s32 $0xFFFFE003, lr  }
0x1b: {  	s9 =	sadd.s32 $0xFFFFFEF7, lr;
	s5 =	simm.s32 $0xFFFFFFFF;
	p2 =	slt.u32 s8, $0xFFFFF086  }
0x1c: {  	p1 =	slt.u32 s9, $0xF7A;
	s5 =	simm.s32 @!p2 $0x0  }
0x1d: {  	s5 =	simm.s32 @p1 $0x1;
	p0 =	seq.s32 s7, s2  }
0x1e: {  	s7 =	smul.u32 @!p0 $0xF7A, s2;
	p2 =	seq.s32 @!p0 s5, $0x0  }
0x1f: {  	s9 =	smul.u32 $0xF7A, s1;
	s8 =	simm.s32 @!p0 $0x1BF5;
	p2 =	por !p2, p0  }
0x20: {  	[sflag:s8] =	ssyncset.s32 @!p0 $0xFFFFF086;
	s6 =	sadd.s32 @!p0 s3, s7;
	s7 =	simm.s32 @!p0 $0x108  }
0x21: {  	s3 =	sadd.s32 s3, s9;
	s6 =	sadd.s32 @!p0 $0x88, s6;
	s7 =	simm.s32 @p2 $0x1082  }
0x22: {  	[simem:s7], [sflag:s8] =	dma.local @!p0 [hbm:s6], $0xF7A  }
0x23: {  	s9 =	sor.u32 $0xD0000000, s2;
	s6 =	simm.s32 $0x108;
	_ =	swait.ge @!p0 [sflag:s8], $0x0  }
0x24: {  	s3 =	sadd.s32 $0x88, s3;
	s6 =	simm.s32 @!p1 $0x1082;
	[sflag:s4] =	ssyncset.s32 $0xFFFFF086  }
0x25: {  	[simem:s6], [sflag:s4] =	dma.local [hbm:s3], $0xF7A  }
0x26: {  	[smem:$0x3F9D] =	sst s1;
	(tag) =	ssettag s2;
	_ =	strace s9  }
0x27: {  	s1 =	sld [smem:$0x3FAD]  }
0x28: {  	s2 =	sld [smem:$0x3FAE]  }
0x29: {  	s4 =	sld [smem:$0x3FB0]  }
0x2a: {  	p0 =	seq.s32 s5, $0x0;
	s5 =	sld [smem:$0x3FB1]  }
0x2b: {  	s6 =	sld [smem:$0x3FB2]  }
0x2c: {  	s7 =	sld [smem:$0x3FB3]  }
0x2d: {  	s3 =	simm.s32 $0x108;
	s8 =	sld [smem:$0x3FB4]  }
0x2e: {  	s3 =	simm.s32 @!p0 $0x1082;
	s9 =	sld [smem:$0x3FB5]  }
0x2f: {  	lr =	sadd.s32 s0, s3;
	s0 =	sld [smem:$0x3FAC]  }
0x30: {  	s3 =	sld [smem:$0x3FAF]  }
0x31: {  	[smem:$0x3FB8] =	sst s10  }
0x32: {  	s10 =	sld [smem:$0x3FB6];
	_ =	sdelay $0x3  }
0x33: {  	p0 =	seq.s32 s10, $0x1;
	s10 =	sld [smem:$0x3FB8];
	_ =	sdelay $0x3  }
0x34: {  	[smem:$0x3FB8] =	sst s10  }
0x35: {  	s10 =	sld [smem:$0x3FB7];
	_ =	sdelay $0x3  }
0x36: {  	p1 =	seq.s32 s10, $0x1;
	s10 =	sld [smem:$0x3FB8];
	_ =	sdelay $0x3  }
0x37: {  	[smem:$0x3FB8] =	sst s10  }
0x38: {  	s10 =	sld [smem:$0x3FB9]  }
0x39: {  	_ = 	snop;
	(pc) =	sbr.ind lr, $3  }
0x3a: {  	_ = 	snop  }
0x3b: {  	_ = 	snop  }
0x3c: {  	p2 =	seq.s32 s10, $0x1;
	s10 =	sld [smem:$0x3FB8]  }
0x3d: {  	_ =	shalt  }
0x3e: {  	_ =	shalt  }
0x3f: {  	_ =	shalt  }
0x40: {  	_ =	shalt  }
0x41: {  	_ =	shalt  }
0x42: {  	_ =	shalt  }
0x43: {  	_ =	shalt  }
0x44: {  	_ =	shalt  }
0x45: {  	_ =	shalt  }
0x46: {  	_ =	shalt  }
0x47: {  	_ =	shalt  }
0x48: {  	_ =	shalt  }
0x49: {  	_ =	shalt  }
0x4a: {  	_ =	shalt  }
0x4b: {  	_ =	shalt  }
0x4c: {  	_ =	shalt  }
0x4d: {  	_ =	shalt  }
0x4e: {  	_ =	shalt  }
0x4f: {  	_ =	shalt  }
0x50: {  	_ =	shalt  }
0x51: {  	_ =	shalt  }
0x52: {  	_ =	shalt  }
0x53: {  	_ =	shalt  }
0x54: {  	_ =	shalt  }
0x55: {  	_ =	shalt  }
0x56: {  	_ =	shalt  }
0x57: {  	_ =	shalt  }
0x58: {  	_ =	shalt  }
0x59: {  	_ =	shalt  }
0x5a: {  	_ =	shalt  }
0x5b: {  	_ =	shalt  }
0x5c: {  	_ =	shalt  }
0x5d: {  	_ =	shalt  }
0x5e: {  	_ =	shalt  }
0x5f: {  	_ =	shalt  }
0x60: {  	_ =	shalt  }
0x61: {  	_ =	shalt  }
0x62: {  	_ =	shalt  }
0x63: {  	_ =	shalt  }
0x64: {  	_ =	shalt  }
0x65: {  	_ =	shalt  }
0x66: {  	_ =	shalt  }
0x67: {  	_ =	shalt  }
0x68: {  	_ =	shalt  }
0x69: {  	_ =	shalt  }
0x6a: {  	_ =	shalt  }
0x6b: {  	_ =	shalt  }
0x6c: {  	_ =	shalt  }
0x6d: {  	_ =	shalt  }
0x6e: {  	_ =	shalt  }
0x6f: {  	_ =	shalt  }
0x70: {  	_ =	shalt  }
0x71: {  	_ =	shalt  }
0x72: {  	_ =	shalt  }
0x73: {  	_ =	shalt  }
0x74: {  	_ =	shalt  }
0x75: {  	_ =	shalt  }
0x76: {  	_ =	shalt  }
0x77: {  	_ =	shalt  }
0x78: {  	_ =	shalt  }
0x79: {  	_ =	shalt  }
0x7a: {  	_ =	shalt  }
0x7b: {  	_ =	shalt  }
0x7c: {  	_ =	shalt  }
0x7d: {  	_ =	shalt  }
0x7e: {  	_ =	shalt  }
0x7f: {  	_ =	shalt  }
0x80: {  	_ =	shalt  }
0x81: {  	_ =	shalt  }
0x82: {  	_ =	shalt  }
0x83: {  	_ =	shalt  }
0x84: {  	_ =	shalt  }
0x85: {  	_ =	shalt  }
0x86: {  	_ =	shalt  }
0x87: {  	_ =	shalt  }
.Lfunc_end0:
.L_simem_size_0:
called_computation_lowered:
.L_overlay_start_0:
0x88: {  	s2 =	sld [smem:$0x3FD9]  }
0x89: {  	s3 =	sld [smem:$0x3FFE];
	_ =	sdelay $0x1  }
0x8a: {  	s1 =	srdreg.scid  }
0x8b: {  	s0 =	sand.u32 $0x1, s1  }
0x8c: {  	s16 =	sshll.u32 s0, $0xA;
	s2 =	sadd.s32 s3, s2  }
0x8d: {  	s2 =	sadd.s32 s2, s16  }
0x8e: {  	[smem:$0x3FC4] =	sst s2  }
0x8f: {  	_ = 	snop  }
0x90: {  	(tm) =	ssettm $0x1  }
0x91: {  	s17 =	sld [smem:$0x3FFB];
	_ =	sdelay $0x3  }
0x92: {  	_ =	strace s17  }
0x93: {  	s2 =	sld [smem:$0x3FFC];
	_ =	sdelay $0x3  }
0x94: {  	_ =	strace s2  }
0x95: {  	s2 =	sld [smem:$0x3FFD];
	_ =	sdelay $0x3  }
0x96: {  	_ =	strace s2  }
0x97: {  	_ =	strace $0x8FFFFFFF  }
0x98: {  	s18 =	sld [smem:$0x3FDB];
	_ =	sdelay $0x1  }
0x99: {  	s19 =	simm.s32 $_scs_section_size  }
0x9a: {  	s4 =	simm.s32 $_size__tile_overlayer_lowered;
	s5 =	simm.s32 $_tile_overlayer_lowered  }
0x9b: {  	s22 =	simm.s32 $0x1BFF;
	s21 =	sshll.u32 s5, $0x1;
	s2 =	sadd.s32 s19, s18  }
0x9c: {  	s6 =	simm.s32 $0x0;
	s20 =	sshll.u32 s4, $0x1;
	s4 =	sadd.s32 s21, s2  }
0x9d: {  	[timem:s6], [sflag:s22] =	dma.local [hbm:s4], s20  }
0x9e: {  	_ =	swait.ge [sflag:s22], s20  }
0x9f: {  	s3 =	ssub.s32 $0x0, s20;
	[sflag:s22] =	ssyncset.done $0x0  }
0xa0: {  	[sflag:s22] =	ssyncadd.s32 s3;
	_ =	sdelay $0x1  }
0xa1: {  	s23 =	simm.s32 $0x1B8B  }
0xa2: {  	_ =	swait.ge [sflag:s23], $0x1  }
0xa3: {  	[sflag:s23] =	ssyncset.done $0x0  }
0xa4: {  	s25 =	simm.s32 $0x1B8E;
	s24 =	sld [smem:$0x3FFE];
	[sflag:s23] =	ssyncadd.s32 $0xFFFFFFFF  }
0xa5: {  	s26 =	simm.s32 $execute0_lowered;
	[smem:$0x3FD2] =	sst s25  }
0xa6: {  	s4 =	sshll.u32 s26, $0x1;
	_ =	strace $0x80000046;
	[dreg:$0x1] =	wrdreg $0xFFFFFFFF  }
0xa7: {  	s28 =	simm.s32 $_size_execute0_lowered;
	s2 =	sadd.s32 s2, s4;
	[dreg:$0x0] =	wrdreg $0x0  }
0xa8: {  	s4 =	sshll.u32 s28, $0x1;
	[dreg:$0x2] =	wrdreg s2  }
0xa9: {  	[dreg:$0x3] =	wrdreg s4  }
0xaa: {  	[dreg:$0x4] =	wrdreg $0xC0  }
0xab: {  	_ =	task [dreg:s6], $0x5FFFF  }
0xac: {  	[dreg:$0x1] =	wrdreg $0xFFFFFFFF  }
0xad: {  	[dreg:$0x0] =	wrdreg $0x60  }
0xae: {  	[dreg:$0x2] =	wrdreg s24  }
0xaf: {  	[dreg:$0x3] =	wrdreg $0x9  }
0xb0: {  	_ =	task.clear_ibuf [dreg:s6], $0x4FFFF;
	_ =	strace $0x90000046  }
0xb1: {  	s29 =	simm.s32 $0x9;
	_ =	strace $0x80000048  }
0xb2: {  	_ =	swait.ge [sflag:s29], $0x1  }
0xb3: {  	[sflag:s29] =	ssyncadd.s32 $0xFFFFFFFF  }
0xb4: {  	_ =	strace $0x90000048  }
0xb5: {  	_ =	sfence  }
0xb6: {  	s30 =	sld [smem:$0x0];
	_ =	sdelay $0x2  }
0xb7: {  	s31 =	sshll.u32 s1, $0xD;
	s1 =	sshrl.u32 s1, $0x2  }
0xb8: {  	s3 =	sand.u32 $0x4000, s31;
	s1 =	sadd.s32 s1, s30  }
0xb9: {  	s0 =	sor.u32 s3, s0;
	s1 =	sshll.u32 s1, $0x11  }
0xba: {  	s0 =	sor.u32 s1, s0  }
0xbb: {  	s0 =	sadd.s32 $0x8F2B, s0  }
0xbc: {  	[sflag:s0] =	ssyncadd.remote.s32 $0x1  }
0xbd: {  	_ =	sfence.sel $0xFFFF  }
0xbe: {  	[dreg:$0x0] =	wrdreg $0xFFFFFFFF;
	(pc) =	sbr.abs _section_cstart, $3  }
0xbf: {  	[dreg:$0x1] =	wrdreg $0xFFFFFFFF  }
0xc0: {  	_ =	task.clear_ibuf [dreg:s6], $0x2FFFF;
	_ =	strace $0x9FFFFFFF  }
0xc1: {  	(tm) =	ssettm $0x7FFFFFFF  }
tec
execute0_lowered:
.L_overlay_start_1:
0x0: {  	(tag) =	ssettag $0x1  }
0x1: {  	s1 =	srdreg.scid;
	s0 =	stileid.u32;
	s3 =	simm.s32 $0x1  }
0x2: {  	s6 =	rddreg [dreg:$0x0];
	s4 =	sand.u32 $0x1, s1;
	s29 =	sshll.u32 s0, $0x1  }
0x3: {  	s2 =	simm.s32 $0x0;
	s11 =	simm.s32 $0x6000;
	s5 =	sor.u32 s4, s29  }
0x4: {  	s12 =	simm.s32 $0xC000;
	p1 =	seq.s32 s4, $0x1;
	p0 =	seq.s32 s5, $0x0  }
0x5: {  	s13 =	simm.s32 $0x1E000;
	s1 =	rddreg [dreg:$0x1];
	p0 =	por !p0, !p1  }
0x6: {  	s14 =	simm.s32 $0x0;
	[smem:$0x7FF] =	sst s2;
	p0 =	por !p0, !p0  }
0x7: {  	_ =	strace $0x80000047;
	s9 =	sshll.u32 s4, $0x10;
	s3 =	simm.s32 @!p0 $0x0  }
0x8: {  	s4 =	ssub.s32 $0x2, s4;
	s5 =	sshll.u32 s5, $0x1;
	s3 =	ssub.s32 s0, s3  }
0x9: {  	s31 =	sshrl.u32 s4, $0x1;
	s7 =	smul.u32 $0x6000, s3;
	s8 =	sshll.u32 s3, $0x11  }
0xa: {  	s30 =	sadd.s32 s5, s6;
	s10 =	ssub.s32 s4, s31;
	s8 =	sor.u32 s9, s8  }
0xb: {  	s3 =	simm.s32 $0x1;
	s7 =	sshrl.u32 s7, $0x3;
	s8 =	sshrl.u32 s8, $0x3  }
0xc: {  	s9 =	simm.s32 $0xE000;
	s7 =	sadd.s32 s7, s6;
	s8 =	sadd.s32 s8, s6  }
0xd: {  	s4 =	sadd.s32 $0x18A00, s8;
	s5 =	sadd.s32 $0xA00, s7;
	s6 =	sadd.s32 $0xCA00, s7  }
0xe: {  	s7 =	sadd.s32 $0x58A00, s30;
	s8 =	smax.u32 s10, $0x1;
	s10 =	simm.s32 $0x2  }
.LBB2_1:
0xf: {  	[tilespmem:s9], [sflag:$0x1] =	stream.linear.gather [hbm4b:s4+s2], $0x10000, $0x38;
	[tilespmem:$0x1E010] =	vst v63  }
0x10: {  	_ = 	snop  }
0x11: {  	[tilespmem:s2], [sflag:$0x2] =	stream.linear.gather [hbm4b:s5+s2], $0x6000, $0x38;
	[tilespmem:$0x1E010] =	vst v63  }
0x12: {  	_ =	swait.ge [sflag:s10], $0x6000  }
0x13: {  	[sflag:s10] =	ssyncset.done $0x0  }
0x14: {  	[sflag:s10] =	ssyncadd.s32 $0xFFFFA000  }
0x15: {  	[tilespmem:s11], [sflag:$0x2] =	stream.linear.gather [hbm4b:s6+s2], $0x6000, $0x38;
	[tilespmem:$0x1E010] =	vst v63  }
0x16: {  	_ =	swait.ge [sflag:s10], $0x6000  }
0x17: {  	[sflag:s10] =	ssyncset.done $0x0  }
0x18: {  	s15 =	simm.s32 $0x0;
	[sflag:s10] =	ssyncadd.s32 $0xFFFFA000  }
0x19: {  	v0 =	vld [tilespmem:s15+$0x30]  }
0x1a: {  	v1 =	vld [tilespmem:s15+$0x6030]  }
0x1b: {  	v2 =	vld [tilespmem:s15+$0x2030]  }
0x1c: {  	v3 =	vld [tilespmem:s15+$0x8030]  }
0x1d: {  	v4 =	vld [tilespmem:s15+$0x4030]  }
0x1e: {  	v5 =	vld [tilespmem:s15+$0xA030]  }
0x1f: {  	v6 =	vld [tilespmem:s15+$0x0]  }
0x20: {  	v7 =	vld [tilespmem:s15+$0x6000]  }
0x21: {  	v8 =	vld [tilespmem:s15+$0x2000]  }
0x22: {  	v9 =	vld [tilespmem:s15+$0x2010];
	v0 =	vsub.f32 v0, v1;
	v1 =	vsub.f32 v2, v3  }
0x23: {  	v2 =	vld [tilespmem:s15+$0x8000]  }
0x24: {  	v3 =	vld [tilespmem:s15+$0x10];
	v4 =	vsub.f32 v4, v5;
	v0 =	vmul.f32 v0, v0;
	v1 =	vmul.f32 v1, v1  }
0x25: {  	v5 =	vld [tilespmem:s15+$0x6010]  }
0x26: {  	v0 =	vadd.f32 v1, v0;
	v1 =	vmul.f32 v4, v4;
	v4 =	vld [tilespmem:s15+$0x8010]  }
0x27: {  	v10 =	vld [tilespmem:s15+$0x20]  }
0x28: {  	v0 =	vadd.f32 v1, v0;
	v1 =	vld [tilespmem:s15+$0x6020]  }
0x29: {  	v11 =	vld [tilespmem:s15+$0x2020]  }
0x2a: {  	[tilespmem:s15+$0xC030] =	vst v0;
	v0 =	vsub.f32 v6, v7;
	v6 =	vsub.f32 v8, v2;
	v7 =	vld [tilespmem:s15+$0x8020]  }
0x2b: {  	v3 =	vsub.f32 v3, v5;
	v5 =	vld [tilespmem:s15+$0xA000];
	v4 =	vsub.f32 v9, v4  }
0x2c: {  	v2 =	vld [tilespmem:s15+$0x4000];
	v0 =	vmul.f32 v0, v0;
	v6 =	vmul.f32 v6, v6  }
0x2d: {  	v8 =	vmul.f32 v3, v3;
	v3 =	vld [tilespmem:s15+$0x4010];
	v9 =	vsub.f32 v10, v1;
	v1 =	vmul.f32 v4, v4  }
0x2e: {  	v0 =	vadd.f32 v6, v0;
	v6 =	vld [tilespmem:s15+$0xA010]  }
0x2f: {  	s16 =	simm.s32 $0x0;
	s17 =	simm.s32 $0x100;
	v4 =	vld [tilespmem:s15+$0x4020];
	v1 =	vadd.f32 v1, v8;
	v8 =	vsub.f32 v11, v7;
	v7 =	vmul.f32 v9, v9  }
.LBB2_2:
0x30: {  	s18 =	sshra.s32 s17, $0x2;
	v9 =	vld [tilespmem:s15+$0xA020]  }
0x31: {  	v10 =	vld [tilespmem:s18+$0x30];
	v2 =	vsub.f32 v2, v5;
	v5 =	vmul.f32 v8, v8  }
0x32: {  	v8 =	vld [tilespmem:s18+$0x6030]  }
0x33: {  	s16 =	sadd.s32 $0x4, s16;
	v11 =	vld [tilespmem:s18+$0x2030];
	v2 =	vmul.f32 v2, v2;
	v3 =	vsub.f32 v3, v6;
	v5 =	vadd.f32 v5, v7  }
0x34: {  	p0 =	slt.u32 s16, $0x1FC;
	v6 =	vld [tilespmem:s18+$0x8030]  }
0x35: {  	v7 =	vld [tilespmem:s18+$0x4030];
	v0 =	vadd.f32 v2, v0;
	v2 =	vmul.f32 v3, v3;
	v3 =	vsub.f32 v4, v9  }
0x36: {  	v4 =	vld [tilespmem:s18+$0xA030]  }
0x37: {  	v9 =	vld [tilespmem:s18+$0x0];
	[tilespmem:s15+$0xC000] =	vst v0;
	v0 =	vadd.f32 v2, v1;
	v1 =	vmul.f32 v3, v3  }
0x38: {  	v2 =	vld [tilespmem:s18+$0x6000]  }
0x39: {  	v8 =	vsub.f32 v10, v8;
	v3 =	vld [tilespmem:s18+$0x2000];
	v6 =	vsub.f32 v11, v6;
	[tilespmem:s15+$0xC010] =	vst v0  }
0x3a: {  	v1 =	vadd.f32 v1, v5;
	v0 =	vld [tilespmem:s18+$0x8000]  }
0x3b: {  	v5 =	vld [tilespmem:s18+$0x10];
	v4 =	vsub.f32 v7, v4;
	v7 =	vmul.f32 v8, v8;
	v6 =	vmul.f32 v6, v6  }
0x3c: {  	v8 =	vld [tilespmem:s18+$0x6010];
	[tilespmem:s15+$0xC020] =	vst v1;
	s15 =	smov.u32 s18  }
0x3d: {  	v1 =	vsub.f32 v9, v2;
	v9 =	vld [tilespmem:s15+$0x2010];
	v2 =	vadd.f32 v6, v7;
	v4 =	vmul.f32 v4, v4  }
0x3e: {  	v6 =	vld [tilespmem:s15+$0x8010]  }
0x3f: {  	v0 =	vsub.f32 v3, v0;
	v1 =	vmul.f32 v1, v1;
	v7 =	vld [tilespmem:s15+$0x20];
	v2 =	vadd.f32 v4, v2  }
0x40: {  	v4 =	vld [tilespmem:s15+$0x6020]  }
0x41: {  	v0 =	vmul.f32 v0, v0;
	v3 =	vsub.f32 v5, v8;
	v8 =	vld [tilespmem:s15+$0x2020];
	[tilespmem:s15+$0xC030] =	vst v2  }
0x42: {  	v10 =	vld [tilespmem:s15+$0x8020]  }
.Ltmp0:
0x43: {  	v2 =	vld [tilespmem:s15+$0x4000];
	v0 =	vadd.f32 v0, v1;
	v1 =	vsub.f32 v9, v6;
	v9 =	vmul.f32 v3, v3;
	(pc) =	sbr.rel @p0 .LBB2_2-.Ltmp0, $4  }
0x44: {  	v5 =	vld [tilespmem:s15+$0xA000]  }
0x45: {  	v3 =	vld [tilespmem:s15+$0x4010];
	v1 =	vmul.f32 v1, v1;
	v7 =	vsub.f32 v7, v4  }
0x46: {  	v6 =	vld [tilespmem:s15+$0xA010]  }
0x47: {  	s17 =	sadd.s32 $0x100, s17;
	v1 =	vadd.f32 v1, v9;
	v8 =	vsub.f32 v8, v10;
	v4 =	vld [tilespmem:s15+$0x4020];
	v7 =	vmul.f32 v7, v7  }
0x48: {  	v9 =	vld [tilespmem:s15+$0xA020];
	_ =	sdelay $0x2  }
0x49: {  	v2 =	vsub.f32 v2, v5  }
0x4a: {  	v3 =	vsub.f32 v3, v6  }
0x4b: {  	v5 =	vmul.f32 v8, v8;
	v2 =	vmul.f32 v2, v2;
	v4 =	vsub.f32 v4, v9  }
0x4c: {  	v3 =	vmul.f32 v3, v3  }
0x4d: {  	v5 =	vadd.f32 v5, v7;
	v0 =	vadd.f32 v2, v0;
	v2 =	vmul.f32 v4, v4  }
0x4e: {  	v1 =	vadd.f32 v3, v1  }
0x4f: {  	[tilespmem:s15+$0xC000] =	vst v0;
	v0 =	vadd.f32 v2, v5  }
0x50: {  	[tilespmem:s15+$0xC010] =	vst v1  }
0x51: {  	[tilespmem:s15+$0xC020] =	vst v0  }
0x52: {  	_ =	swait.ge [sflag:s3], $0x10000  }
0x53: {  	[sflag:s3] =	ssyncset.done $0x0  }
0x54: {  	s31 =	simm.s32 $0xE000;
	[sflag:s3] =	ssyncadd.s32 $0xFFFF0000  }
0x55: {  	v0 =	vld [tilespmem:s31+$0x0];
	_ =	sdelay $0x1  }
0x56: {  	v1 =	vld [tilespmem:s31+$0x2000];
	_ =	sdelay $0x1  }
0x57: {  	v2 =	vld [tilespmem:s31+$0x4000]  }
0x58: {  	v3 =	vld [tilespmem:s31+$0x6000]  }
0x59: {  	v8 =	vld [tilespmem:s31+$0xE000]  }
0x5a: {  	v4 =	vld [tilespmem:s31+$0x8000]  }
0x5b: {  	v0 =	vld.idx.msk [tilespmem:v0+s12+$0x0], $0xffff  }
0x5c: {  	v5 =	vld [tilespmem:s31+$0xA000]  }
0x5d: {  	v1 =	vld.idx.msk [tilespmem:v1+s12+$0x0], $0xffff  }
0x5e: {  	v6 =	vld [tilespmem:s31+$0xC000]  }
0x5f: {  	v7 =	vimm.f32 $0.0e+00;
	v2 =	vld.idx.msk [tilespmem:v2+s12+$0x0], $0xffff  }
0x60: {  	v3 =	vld.idx.msk [tilespmem:v3+s12+$0x0], $0xffff;
	v0 =	vadd.f32 v0, v7  }
0x61: {  	v8 =	vld.idx.msk [tilespmem:v8+s12+$0x0], $0xffff  }
0x62: {  	v7 =	vld [tilespmem:s31+$0x10];
	v0 =	vadd.f32 v1, v0  }
0x63: {  	v1 =	vld.idx.msk [tilespmem:v4+s12+$0x0], $0xffff  }
0x64: {  	v4 =	vld [tilespmem:s31+$0x2010];
	v0 =	vadd.f32 v2, v0  }
0x65: {  	v2 =	vld.idx.msk [tilespmem:v5+s12+$0x0], $0xffff  }
0x66: {  	v5 =	vld [tilespmem:s31+$0x4010];
	v0 =	vadd.f32 v3, v0  }
0x67: {  	v3 =	vld.idx.msk [tilespmem:v6+s12+$0x0], $0xffff  }
0x68: {  	v6 =	vld [tilespmem:s31+$0x6010];
	v1 =	vadd.f32 v1, v0  }
0x69: {  	v0 =	vld [tilespmem:s31+$0x8010]  }
0x6a: {  	v7 =	vld.idx.msk [tilespmem:v7+s12+$0x0], $0xffff;
	v2 =	vadd.f32 v2, v1  }
0x6b: {  	v1 =	vld [tilespmem:s31+$0xA010]  }
0x6c: {  	v4 =	vld.idx.msk [tilespmem:v4+s12+$0x0], $0xffff;
	v3 =	vadd.f32 v3, v2  }
0x6d: {  	v2 =	vld [tilespmem:s31+$0xC010]  }
0x6e: {  	v5 =	vld.idx.msk [tilespmem:v5+s12+$0x0], $0xffff;
	v8 =	vadd.f32 v8, v3  }
0x6f: {  	v3 =	vld [tilespmem:s31+$0xE010]  }
0x70: {  	s16 =	simm.s32 $0xE020;
	s15 =	simm.s32 $0x0;
	v6 =	vld.idx.msk [tilespmem:v6+s12+$0x0], $0xffff;
	v7 =	vadd.f32 v7, v8  }
.LBB2_4:
0x71: {  	v8 =	vld [tilespmem:s16+$0x0]  }
0x72: {  	s15 =	sadd.s32 $0x2, s15;
	v4 =	vadd.f32 v4, v7;
	v0 =	vld.idx.msk [tilespmem:v0+s12+$0x0], $0xffff  }
0x73: {  	p0 =	slt.u32 s15, $0x1FE;
	v7 =	vld [tilespmem:s16+$0x2000]  }
0x74: {  	v4 =	vadd.f32 v5, v4;
	v1 =	vld.idx.msk [tilespmem:v1+s12+$0x0], $0xffff  }
0x75: {  	v5 =	vld [tilespmem:s16+$0x4000]  }
0x76: {  	v4 =	vadd.f32 v6, v4;
	v2 =	vld.idx.msk [tilespmem:v2+s12+$0x0], $0xffff  }
0x77: {  	v6 =	vld [tilespmem:s16+$0x6000]  }
0x78: {  	v0 =	vadd.f32 v0, v4;
	v3 =	vld.idx.msk [tilespmem:v3+s12+$0x0], $0xffff  }
0x79: {  	v4 =	vld [tilespmem:s16+$0x8000]  }
0x7a: {  	v8 =	vld.idx.msk [tilespmem:v8+s12+$0x0], $0xffff;
	v0 =	vadd.f32 v1, v0  }
0x7b: {  	v1 =	vld [tilespmem:s16+$0xA000]  }
0x7c: {  	v7 =	vld.idx.msk [tilespmem:v7+s12+$0x0], $0xffff;
	v0 =	vadd.f32 v2, v0  }
0x7d: {  	v2 =	vld [tilespmem:s16+$0xC000]  }
0x7e: {  	v5 =	vld.idx.msk [tilespmem:v5+s12+$0x0], $0xffff;
	v0 =	vadd.f32 v3, v0  }
0x7f: {  	v3 =	vld [tilespmem:s16+$0xE000]  }
0x80: {  	v0 =	vadd.f32 v8, v0;
	v6 =	vld.idx.msk [tilespmem:v6+s12+$0x0], $0xffff  }
0x81: {  	v8 =	vld [tilespmem:s16+$0x10]  }
0x82: {  	v0 =	vadd.f32 v7, v0;
	v4 =	vld.idx.msk [tilespmem:v4+s12+$0x0], $0xffff  }
0x83: {  	v7 =	vld [tilespmem:s16+$0x2010]  }
0x84: {  	v0 =	vadd.f32 v5, v0;
	v1 =	vld.idx.msk [tilespmem:v1+s12+$0x0], $0xffff  }
0x85: {  	v5 =	vld [tilespmem:s16+$0x4010]  }
0x86: {  	v0 =	vadd.f32 v6, v0;
	v2 =	vld.idx.msk [tilespmem:v2+s12+$0x0], $0xffff  }
0x87: {  	v6 =	vld [tilespmem:s16+$0x6010]  }
0x88: {  	v4 =	vadd.f32 v4, v0;
	v3 =	vld.idx.msk [tilespmem:v3+s12+$0x0], $0xffff  }
0x89: {  	v0 =	vld [tilespmem:s16+$0x8010]  }
0x8a: {  	v4 =	vadd.f32 v1, v4;
	v8 =	vld.idx.msk [tilespmem:v8+s12+$0x0], $0xffff  }
0x8b: {  	v1 =	vld [tilespmem:s16+$0xA010]  }
.Ltmp1:
0x8c: {  	v9 =	vadd.f32 v2, v4;
	v4 =	vld.idx.msk [tilespmem:v7+s12+$0x0], $0xffff;
	(pc) =	sbr.rel @p0 .LBB2_4-.Ltmp1, $4  }
0x8d: {  	v2 =	vld [tilespmem:s16+$0xC010]  }
0x8e: {  	v7 =	vadd.f32 v3, v9;
	v5 =	vld.idx.msk [tilespmem:v5+s12+$0x0], $0xffff  }
0x8f: {  	v3 =	vld [tilespmem:s16+$0xE010]  }
0x90: {  	s16 =	sadd.s32 $0x20, s16;
	v7 =	vadd.f32 v8, v7;
	v6 =	vld.idx.msk [tilespmem:v6+s12+$0x0], $0xffff  }
0x91: {  	_ =	sdelay $0x2  }
0x92: {  	v4 =	vadd.f32 v4, v7  }
0x93: {  	v0 =	vld.idx.msk [tilespmem:v0+s12+$0x0], $0xffff  }
0x94: {  	v4 =	vadd.f32 v5, v4  }
0x95: {  	v1 =	vld.idx.msk [tilespmem:v1+s12+$0x0], $0xffff  }
0x96: {  	v4 =	vadd.f32 v6, v4  }
0x97: {  	v2 =	vld.idx.msk [tilespmem:v2+s12+$0x0], $0xffff  }
0x98: {  	v0 =	vadd.f32 v0, v4  }
0x99: {  	v3 =	vld.idx.msk [tilespmem:v3+s12+$0x0], $0xffff  }
0x9a: {  	v0 =	vadd.f32 v1, v0;
	_ =	sdelay $0x1  }
0x9b: {  	v0 =	vadd.f32 v2, v0;
	_ =	sdelay $0x1  }
0x9c: {  	s14 =	sadd.s32 $0x1, s14;
	v0 =	vadd.f32 v3, v0  }
0x9d: {  	p0 =	sne.s32 s14, s8  }
.Ltmp2:
0x9e: {  	[tilespmem:$0x1E000] =	vst v0;
	(pc) =	sbr.rel @p0 .LBB2_1-.Ltmp2, $4  }
0x9f: {  	[hbm4b:s7+s2] =	stream.linear.scatter [tilespmem:s13], [sflag:$0x2], $0x10, $0x38;
	[tilespmem:$0x1E010] =	vst v63  }
0xa0: {  	_ =	swait.ge [sflag:s10], $0x10  }
0xa1: {  	[sflag:s10] =	ssyncset.done $0x0  }
0xa2: {  	[sflag:s10] =	ssyncadd.s32 $0xFFFFFFF0  }
0xa3: {  	_ =	sfence.sel $0x180000  }
0xa4: {  	[bflag:$0x0] =	sbarrier.arrive $0xFFFF  }
0xa5: {  	p0 =	sne.s32 s0, $0x0;
	_ =	strace $0x90000047  }
0xa6: {  	s0 =	sadd.s32 @!p0 $0x100000, s1;
	[bflag:$0x2] =	sbarrier.arrive $0xFFFF  }
0xa7: {  	[sflag:s0] =	ssyncadd.tile.s32 @!p0 $0x1;
	_ =	shalt  }
.Lfunc_end2:
_tile_overlayer_lowered:
.L_overlay_start_2:
0xa8: {  	(tag) =	ssettag $0x2  }
0xa9: {  	s0 =	rddreg [dreg:$0x0];
	s2 =	stileid.u32  }
0xaa: {  	s1 =	rddreg [dreg:$0x1];
	p0 =	sne.s32 s2, $0x0  }
0xab: {  	s3 =	rddreg [dreg:$0x2];
	[bflag:$0x3] =	sbarrier.arrive $0xFFFF;
	s2 =	simm.s32 @!p0 $0x1C02  }
0xac: {  	[timem:s3], [sflag:s2] =	dma.local @!p0 [hbm:s0], s1  }
0xad: {  	s0 =	simm.s32 @!p0 $0x2  }
0xae: {  	_ =	swait.ge @!p0 [sflag:s0], s1  }
0xaf: {  	s1 =	ssub.s32 @!p0 $0x0, s1;
	[sflag:s0] =	ssyncset.done @!p0 $0x0  }
0xb0: {  	[sflag:s0] =	ssyncadd.s32 @!p0 s1  }
0xb1: {  	[bflag:$0x3] =	sbarrier.arrive $0xFFFF  }
0xb2: {  	_ =	shalt  }

</sc_bundles>
